<compile_context>
chip_gen: v7x
topology: tpu7x:2x2x1
jax: 0.10.2.dev20260603
libtpu: 0.0.44.dev20260713+nightly
codegen_flags: <defaults>
</compile_context>

<pallas_src>
import functools

import jax
import jax.numpy as jnp
from jax import lax
from jax.experimental import pallas as pl
from jax.experimental.pallas import tpu as pltpu
from jax.experimental.pallas import tpu_sc as plsc

N = 8192
RBLK = 256
NUM_BLOCKS = N // RBLK


def _knn_l2_body(c_ref, ctm2_ref, p_ref, t_ref, idx_ref, l2_ref, pad_ref, a2c_ref):
    i = pl.program_id(0)
    rows = c_ref[...]

    @pl.when(i == 0)
    def _():
        u, v, w = ctm2_ref[0:1, :], ctm2_ref[1:2, :], ctm2_ref[2:3, :]
        a2c_ref[...] = (u * u + v * v + w * w) * 0.25

    g2 = jnp.dot(rows, ctm2_ref[...], preferred_element_type=jnp.float32)
    x, y, z = rows[:, 0:1], rows[:, 1:2], rows[:, 2:3]
    a2r = x * x + y * y + z * z
    key = jnp.maximum(a2c_ref[...] + g2, -a2r)
    colf = lax.broadcasted_iota(jnp.int32, (RBLK, N), 1).astype(jnp.float32)
    big = jnp.float32(3.4e38)
    sent = jnp.float32(16384.0)
    m1 = jnp.min(key, axis=1, keepdims=True)
    i1 = jnp.min(jnp.where(key == m1, colf, sent), axis=1, keepdims=True)
    keyx = jnp.where(colf == i1, big, key)
    m2 = jnp.min(keyx, axis=1, keepdims=True)
    i2 = jnp.min(jnp.where(keyx == m2, colf, sent), axis=1)
    idx_ref[...] = i2.astype(jnp.int32)

    p = p_ref[...]
    dpt = p - t_ref[...]
    part = jnp.sum(dpt * dpt)

    @pl.when(i == 0)
    def _():
        l2_ref[0, 0] = 0.0

    l2_ref[0, 0] += part

    pad_ref[...] = jnp.pad(p, ((0, 0), (0, 13)))


def _knn_l2(coords, coords_tm2, pred, target):
    return pl.pallas_call(
        _knn_l2_body,
        grid=(NUM_BLOCKS,),
        in_specs=[
            pl.BlockSpec((RBLK, 3), lambda i: (i, 0)),
            pl.BlockSpec((3, N), lambda i: (0, 0)),
            pl.BlockSpec((RBLK, 3), lambda i: (i, 0)),
            pl.BlockSpec((RBLK, 3), lambda i: (i, 0)),
        ],
        out_specs=[
            pl.BlockSpec((RBLK,), lambda i: (i,)),
            pl.BlockSpec((1, 1), lambda i: (0, 0), memory_space=pltpu.SMEM),
            pl.BlockSpec((RBLK, 16), lambda i: (i, 0)),
        ],
        out_shape=[
            jax.ShapeDtypeStruct((N,), jnp.int32),
            jax.ShapeDtypeStruct((1, 1), jnp.float32),
            jax.ShapeDtypeStruct((N, 16), jnp.float32),
        ],
        scratch_shapes=[pltpu.VMEM((1, N), jnp.float32)],
    )(coords, coords_tm2, pred, target)


_NW = 32
_PER_W = N // _NW
_CHUNK = 128
_NCH = _PER_W // _CHUNK


def _tv_body(pred_hbm, idx_hbm, out_hbm, idx_v, own_v, gat_v, acc_v, sem):
    wid = lax.axis_index("s") * 2 + lax.axis_index("c")
    acc_v[...] = jnp.zeros((16,), jnp.float32)
    for c in range(_NCH):
        base = wid * _PER_W + c * _CHUNK
        pltpu.sync_copy(idx_hbm.at[pl.ds(base, _CHUNK)], idx_v)
        pltpu.async_copy(pred_hbm.at[idx_v], gat_v, sem).wait()
        pltpu.sync_copy(pred_hbm.at[pl.ds(base, _CHUNK)], own_v)

        def body(r, _):
            acc_v[...] = acc_v[...] + jnp.abs(own_v[r, :] - gat_v[r, :])
            return ()

        lax.fori_loop(0, _CHUNK, body, ())
    pltpu.sync_copy(acc_v, out_hbm.at[wid])


@functools.cache
def _tv_partials_fn():
    return pl.kernel(
        _tv_body,
        out_type=jax.ShapeDtypeStruct((_NW, 16), jnp.float32),
        mesh=plsc.VectorSubcoreMesh(core_axis_name="c", subcore_axis_name="s"),
        scratch_types=[
            pltpu.VMEM((_CHUNK,), jnp.int32),
            pltpu.VMEM((_CHUNK, 16), jnp.float32),
            pltpu.VMEM((_CHUNK, 16), jnp.float32),
            pltpu.VMEM((16,), jnp.float32),
            pltpu.SemaphoreType.DMA,
        ],
        compiler_params=pltpu.CompilerParams(use_tc_tiling_on_sc=False),
    )


def kernel(pred, target, coords):
    coords_tm2 = (coords * jnp.float32(-2.0)).T
    knn_idx, l2_sum, pred_pad = _knn_l2(coords, coords_tm2, pred, target)
    partials = _tv_partials_fn()(pred_pad, knn_idx)
    tv_sum = jnp.sum(partials)
    return l2_sum[0, 0] / jnp.float32(N * 3) + tv_sum / jnp.float32(N)

# --- scband reference (transcript-rebuilt; emitter-appended) ---
"""Pipeline reference for scband-smooth-loss-27822798143796 (READ-ONLY COPY).

The authoritative reference and input builder live on the scoring server;
editing this copy changes nothing except your own understanding.
"""

import jax, jax.numpy as jnp
import numpy as np

LAMBDA_TV = 1.0


def setup_inputs(seed: int = 0) -> dict:
    key = jax.random.key(seed)
    k1, k2, k3 = jax.random.split(key, 3)
    pred = jax.random.normal(k1, (8192, 3), dtype=jnp.float32)
    target = jax.random.normal(k2, (8192, 3), dtype=jnp.float32)
    coords = jax.random.normal(k3, (8192, 3), dtype=jnp.float32)
    return {"pred": pred, "target": target, "coords": coords}


def _cdist(a, b):
    # Euclidean pairwise distances via the expanded quadratic form
    a2 = jnp.sum(a * a, axis=1)
    b2 = jnp.sum(b * b, axis=1)
    d2 = a2[:, None] + b2[None, :] - 2.0 * (a @ b.T)
    d2 = jnp.maximum(d2, 0.0)
    return jnp.sqrt(d2)


def reference(pred, target, coords):
    # MSE term
    l2_loss = jnp.mean((pred - target) ** 2)
    # total variation term: 1-NN (excluding self) graph smoothness
    dist_matrix = _cdist(coords, coords)  # [N, N]
    _, idx = jax.lax.top_k(-dist_matrix, 2)  # smallest two distances per row
    knn_idx = idx[:, 1]  # nearest neighbor excluding self
    diff = pred - pred[knn_idx]
    tv_loss = jnp.mean(jnp.sum(jnp.abs(diff), axis=-1))  # L1 norm over last dim
    return l2_loss + LAMBDA_TV * tv_loss

if __name__ == "__main__":
    import jax
    _d = setup_inputs()
    print(jax.jit(kernel)(*tuple(_d.values())))

</pallas_src>

<mosaic_0001>
#map = affine_map<(d0, d1) -> (0, 0)>
#map1 = affine_map<(d0, d1) -> (0)>
module attributes {stable_mosaic.version = 14 : i64} {
  func.func @_tv_body(%arg0: i32, %arg1: i32, %arg2: memref<8192x16xf32, #tpu.memory_space<hbm>>, %arg3: memref<8192xi32, #tpu.memory_space<hbm>>, %arg4: memref<32x16xf32, #tpu.memory_space<hbm>>, %arg5: memref<128xi32, #tpu.memory_space<vmem>>, %arg6: memref<128x16xf32, #tpu.memory_space<vmem>>, %arg7: memref<128x16xf32, #tpu.memory_space<vmem>>, %arg8: memref<16xf32, #tpu.memory_space<vmem>>, %arg9: memref<!tpu.dma_semaphore, #tpu.memory_space<semaphore_mem>>) attributes {dimension_semantics = [#tpu.dimension_semantics<core_parallel>, #tpu.dimension_semantics<subcore_parallel>], iteration_bounds = array<i64: 2, 16>, scalar_prefetch = 0 : i64, scratch_operands = 5 : i64, tpu.core_type = #tpu.core_type<sc_vector_subcore>, window_params = [{transform_indices = #map}, {transform_indices = #map1}, {transform_indices = #map}]} {
    %mul3A = arith.constant 2 : i32
    %mul3A_0 = arith.muli %arg1, %mul3A : i32
    %add3A = arith.addi %mul3A_0, %arg0 : i32
    %broadcast_in_dim3A = arith.constant 0.000000e+00 : f32
    %broadcast_in_dim3A_1 = vector.broadcast %broadcast_in_dim3A : f32 to vector<16xf32>
    %swap3A = arith.constant 0 : index
    %swap3A_2 = tpu.vector_load %arg8[%swap3A] {strides = array<i32>} : memref<16xf32, #tpu.memory_space<vmem>>, vector<16xf32>,
    %swap3A_3 = vector.shape_cast %swap3A_2 : vector<16xf32> to vector<16xf32>
    %swap3A_4 = vector.shape_cast %broadcast_in_dim3A_1 : vector<16xf32> to vector<16xf32>
    tpu.vector_store %arg8[%swap3A], %swap3A_4 {strides = array<i32>} : memref<16xf32, #tpu.memory_space<vmem>>, vector<16xf32>,
    %mul3A_5 = arith.constant 256 : i32
    %mul3A_6 = arith.muli %add3A, %mul3A_5 : i32
    %add3A_7 = arith.constant 0 : i32
    %add3A_8 = arith.addi %mul3A_6, %add3A_7 : i32
    "tpu.region"() ({
      %run_scoped3A = tpu.sem_alloc : memref<!tpu.dma_semaphore, #tpu.memory_space<semaphore_mem>>
      %dma_start3A_32 = tpu.memref_slice %arg3[%add3A_8] : memref<8192xi32, #tpu.memory_space<hbm>> -> memref<128xi32, #tpu.memory_space<hbm>>
      %dma_start3A_33 = tpu.memref_slice %arg3[%add3A_8] : memref<8192xi32, #tpu.memory_space<hbm>> -> memref<128xi32, #tpu.memory_space<hbm>>
      tpu.enqueue_dma source(%dma_start3A_33 : memref<128xi32, #tpu.memory_space<hbm>>) target(%arg5 : memref<128xi32, #tpu.memory_space<vmem>>) target_semaphore(%run_scoped3A : memref<!tpu.dma_semaphore, #tpu.memory_space<semaphore_mem>>)
      %dma_wait3A_34 = tpu.memref_slice %arg3[%add3A_8] : memref<8192xi32, #tpu.memory_space<hbm>> -> memref<128xi32, #tpu.memory_space<hbm>>
      %dma_wait3A_35 = tpu.memref_slice %arg3[%add3A_8] : memref<8192xi32, #tpu.memory_space<hbm>> -> memref<128xi32, #tpu.memory_space<hbm>>
      tpu.wait_dma2 semaphore(%run_scoped3A : memref<!tpu.dma_semaphore, #tpu.memory_space<semaphore_mem>>) src(%dma_wait3A_35 : memref<128xi32, #tpu.memory_space<hbm>>) dst(%arg5 : memref<128xi32, #tpu.memory_space<vmem>>)
      tpu.yield
    }) : () -> ()
    %dma_start3A = arith.constant 0 : i32
    %dma_start3A_9 = arith.constant 0 : i32
    %dma_start3A_10 = tpu.memref_slice %arg2[%dma_start3A, %dma_start3A_9] : memref<8192x16xf32, #tpu.memory_space<hbm>> -> memref<8192x16xf32, #tpu.memory_space<hbm>>
    tpu.enqueue_indirect_dma source(%dma_start3A_10 : memref<8192x16xf32, #tpu.memory_space<hbm>>) target(%arg7 : memref<128x16xf32, #tpu.memory_space<vmem>>) offsets(%arg5 : memref<128xi32, #tpu.memory_space<vmem>>) semaphore(%arg9 : memref<!tpu.dma_semaphore, #tpu.memory_space<semaphore_mem>>)
    %dma_wait3A = arith.constant 0 : i32
    %dma_wait3A_11 = arith.constant 0 : i32
    %dma_wait3A_12 = tpu.memref_slice %arg2[%dma_wait3A, %dma_wait3A_11] : memref<8192x16xf32, #tpu.memory_space<hbm>> -> memref<8192x16xf32, #tpu.memory_space<hbm>>
    tpu.wait_indirect_dma semaphore(%arg9 : memref<!tpu.dma_semaphore, #tpu.memory_space<semaphore_mem>>) src(%dma_wait3A_12 : memref<8192x16xf32, #tpu.memory_space<hbm>>) dst(%arg7 : memref<128x16xf32, #tpu.memory_space<vmem>>)
    "tpu.region"() ({
      %run_scoped3A = tpu.sem_alloc : memref<!tpu.dma_semaphore, #tpu.memory_space<semaphore_mem>>
      %dma_start3A_32 = arith.constant 0 : i32
      %dma_start3A_33 = tpu.memref_slice %arg2[%add3A_8, %dma_start3A_32] : memref<8192x16xf32, #tpu.memory_space<hbm>> -> memref<128x16xf32, #tpu.memory_space<hbm>>
      %dma_start3A_34 = arith.constant 0 : i32
      %dma_start3A_35 = tpu.memref_slice %arg2[%add3A_8, %dma_start3A_34] : memref<8192x16xf32, #tpu.memory_space<hbm>> -> memref<128x16xf32, #tpu.memory_space<hbm>>
      tpu.enqueue_dma source(%dma_start3A_35 : memref<128x16xf32, #tpu.memory_space<hbm>>) target(%arg6 : memref<128x16xf32, #tpu.memory_space<vmem>>) target_semaphore(%run_scoped3A : memref<!tpu.dma_semaphore, #tpu.memory_space<semaphore_mem>>)
      %dma_wait3A_36 = arith.constant 0 : i32
      %dma_wait3A_37 = tpu.memref_slice %arg2[%add3A_8, %dma_wait3A_36] : memref<8192x16xf32, #tpu.memory_space<hbm>> -> memref<128x16xf32, #tpu.memory_space<hbm>>
      %dma_wait3A_38 = arith.constant 0 : i32
      %dma_wait3A_39 = tpu.memref_slice %arg2[%add3A_8, %dma_wait3A_38] : memref<8192x16xf32, #tpu.memory_space<hbm>> -> memref<128x16xf32, #tpu.memory_space<hbm>>
      tpu.wait_dma2 semaphore(%run_scoped3A : memref<!tpu.dma_semaphore, #tpu.memory_space<semaphore_mem>>) src(%dma_wait3A_39 : memref<128x16xf32, #tpu.memory_space<hbm>>) dst(%arg6 : memref<128x16xf32, #tpu.memory_space<vmem>>)
      tpu.yield
    }) : () -> ()
    %scan3A = arith.constant 0 : i32
    %scan3A_13 = arith.constant 128 : i32
    %scan3A_14 = arith.addi %scan3A, %scan3A_13 : i32
    %scan3A_15 = arith.constant 1 : i32
    scf.for %scan3A_32 = %scan3A to %scan3A_14 step %scan3A_15  : i32 {
      %get3A = arith.constant 0 : index
      %get3A_33 = tpu.vector_load %arg8[%get3A] {strides = array<i32>} : memref<16xf32, #tpu.memory_space<vmem>>, vector<16xf32>,
      %get3A_34 = vector.shape_cast %get3A_33 : vector<16xf32> to vector<16xf32>
      %get3A_35 = arith.index_cast %scan3A_32 : i32 to index
      %get3A_36 = arith.constant 0 : index
      %get3A_37 = tpu.vector_load %arg6[%get3A_35, %get3A_36] {strides = array<i32>} : memref<128x16xf32, #tpu.memory_space<vmem>>, vector<1x16xf32>,
      %get3A_38 = vector.shape_cast %get3A_37 : vector<1x16xf32> to vector<16xf32>
      %get3A_39 = arith.index_cast %scan3A_32 : i32 to index
      %get3A_40 = arith.constant 0 : index
      %get3A_41 = tpu.vector_load %arg7[%get3A_39, %get3A_40] {strides = array<i32>} : memref<128x16xf32, #tpu.memory_space<vmem>>, vector<1x16xf32>,
      %get3A_42 = vector.shape_cast %get3A_41 : vector<1x16xf32> to vector<16xf32>
      %sub3A = arith.subf %get3A_38, %get3A_42 : vector<16xf32>
      %abs3A = math.absf %sub3A : vector<16xf32>
      %add3A_43 = arith.addf %get3A_34, %abs3A : vector<16xf32>
      %swap3A_44 = arith.constant 0 : index
      %swap3A_45 = tpu.vector_load %arg8[%swap3A_44] {strides = array<i32>} : memref<16xf32, #tpu.memory_space<vmem>>, vector<16xf32>,
      %swap3A_46 = vector.shape_cast %swap3A_45 : vector<16xf32> to vector<16xf32>
      %swap3A_47 = vector.shape_cast %add3A_43 : vector<16xf32> to vector<16xf32>
      tpu.vector_store %arg8[%swap3A_44], %swap3A_47 {strides = array<i32>} : memref<16xf32, #tpu.memory_space<vmem>>, vector<16xf32>,
    }
    %scan3A_16 = arith.constant 128 : i32
    %mul3A_17 = arith.constant 256 : i32
    %mul3A_18 = arith.muli %add3A, %mul3A_17 : i32
    %add3A_19 = arith.constant 128 : i32
    %add3A_20 = arith.addi %mul3A_18, %add3A_19 : i32
    "tpu.region"() ({
      %run_scoped3A = tpu.sem_alloc : memref<!tpu.dma_semaphore, #tpu.memory_space<semaphore_mem>>
      %dma_start3A_32 = tpu.memref_slice %arg3[%add3A_20] : memref<8192xi32, #tpu.memory_space<hbm>> -> memref<128xi32, #tpu.memory_space<hbm>>
      %dma_start3A_33 = tpu.memref_slice %arg3[%add3A_20] : memref<8192xi32, #tpu.memory_space<hbm>> -> memref<128xi32, #tpu.memory_space<hbm>>
      tpu.enqueue_dma source(%dma_start3A_33 : memref<128xi32, #tpu.memory_space<hbm>>) target(%arg5 : memref<128xi32, #tpu.memory_space<vmem>>) target_semaphore(%run_scoped3A : memref<!tpu.dma_semaphore, #tpu.memory_space<semaphore_mem>>)
      %dma_wait3A_34 = tpu.memref_slice %arg3[%add3A_20] : memref<8192xi32, #tpu.memory_space<hbm>> -> memref<128xi32, #tpu.memory_space<hbm>>
      %dma_wait3A_35 = tpu.memref_slice %arg3[%add3A_20] : memref<8192xi32, #tpu.memory_space<hbm>> -> memref<128xi32, #tpu.memory_space<hbm>>
      tpu.wait_dma2 semaphore(%run_scoped3A : memref<!tpu.dma_semaphore, #tpu.memory_space<semaphore_mem>>) src(%dma_wait3A_35 : memref<128xi32, #tpu.memory_space<hbm>>) dst(%arg5 : memref<128xi32, #tpu.memory_space<vmem>>)
      tpu.yield
    }) : () -> ()
    %dma_start3A_21 = arith.constant 0 : i32
    %dma_start3A_22 = arith.constant 0 : i32
    %dma_start3A_23 = tpu.memref_slice %arg2[%dma_start3A_21, %dma_start3A_22] : memref<8192x16xf32, #tpu.memory_space<hbm>> -> memref<8192x16xf32, #tpu.memory_space<hbm>>
    tpu.enqueue_indirect_dma source(%dma_start3A_23 : memref<8192x16xf32, #tpu.memory_space<hbm>>) target(%arg7 : memref<128x16xf32, #tpu.memory_space<vmem>>) offsets(%arg5 : memref<128xi32, #tpu.memory_space<vmem>>) semaphore(%arg9 : memref<!tpu.dma_semaphore, #tpu.memory_space<semaphore_mem>>)
    %dma_wait3A_24 = arith.constant 0 : i32
    %dma_wait3A_25 = arith.constant 0 : i32
    %dma_wait3A_26 = tpu.memref_slice %arg2[%dma_wait3A_24, %dma_wait3A_25] : memref<8192x16xf32, #tpu.memory_space<hbm>> -> memref<8192x16xf32, #tpu.memory_space<hbm>>
    tpu.wait_indirect_dma semaphore(%arg9 : memref<!tpu.dma_semaphore, #tpu.memory_space<semaphore_mem>>) src(%dma_wait3A_26 : memref<8192x16xf32, #tpu.memory_space<hbm>>) dst(%arg7 : memref<128x16xf32, #tpu.memory_space<vmem>>)
    "tpu.region"() ({
      %run_scoped3A = tpu.sem_alloc : memref<!tpu.dma_semaphore, #tpu.memory_space<semaphore_mem>>
      %dma_start3A_32 = arith.constant 0 : i32
      %dma_start3A_33 = tpu.memref_slice %arg2[%add3A_20, %dma_start3A_32] : memref<8192x16xf32, #tpu.memory_space<hbm>> -> memref<128x16xf32, #tpu.memory_space<hbm>>
      %dma_start3A_34 = arith.constant 0 : i32
      %dma_start3A_35 = tpu.memref_slice %arg2[%add3A_20, %dma_start3A_34] : memref<8192x16xf32, #tpu.memory_space<hbm>> -> memref<128x16xf32, #tpu.memory_space<hbm>>
      tpu.enqueue_dma source(%dma_start3A_35 : memref<128x16xf32, #tpu.memory_space<hbm>>) target(%arg6 : memref<128x16xf32, #tpu.memory_space<vmem>>) target_semaphore(%run_scoped3A : memref<!tpu.dma_semaphore, #tpu.memory_space<semaphore_mem>>)
      %dma_wait3A_36 = arith.constant 0 : i32
      %dma_wait3A_37 = tpu.memref_slice %arg2[%add3A_20, %dma_wait3A_36] : memref<8192x16xf32, #tpu.memory_space<hbm>> -> memref<128x16xf32, #tpu.memory_space<hbm>>
      %dma_wait3A_38 = arith.constant 0 : i32
      %dma_wait3A_39 = tpu.memref_slice %arg2[%add3A_20, %dma_wait3A_38] : memref<8192x16xf32, #tpu.memory_space<hbm>> -> memref<128x16xf32, #tpu.memory_space<hbm>>
      tpu.wait_dma2 semaphore(%run_scoped3A : memref<!tpu.dma_semaphore, #tpu.memory_space<semaphore_mem>>) src(%dma_wait3A_39 : memref<128x16xf32, #tpu.memory_space<hbm>>) dst(%arg6 : memref<128x16xf32, #tpu.memory_space<vmem>>)
      tpu.yield
    }) : () -> ()
    %scan3A_27 = arith.constant 0 : i32
    %scan3A_28 = arith.constant 128 : i32
    %scan3A_29 = arith.addi %scan3A_27, %scan3A_28 : i32
    %scan3A_30 = arith.constant 1 : i32
    scf.for %scan3A_32 = %scan3A_27 to %scan3A_29 step %scan3A_30  : i32 {
      %get3A = arith.constant 0 : index
      %get3A_33 = tpu.vector_load %arg8[%get3A] {strides = array<i32>} : memref<16xf32, #tpu.memory_space<vmem>>, vector<16xf32>,
      %get3A_34 = vector.shape_cast %get3A_33 : vector<16xf32> to vector<16xf32>
      %get3A_35 = arith.index_cast %scan3A_32 : i32 to index
      %get3A_36 = arith.constant 0 : index
      %get3A_37 = tpu.vector_load %arg6[%get3A_35, %get3A_36] {strides = array<i32>} : memref<128x16xf32, #tpu.memory_space<vmem>>, vector<1x16xf32>,
      %get3A_38 = vector.shape_cast %get3A_37 : vector<1x16xf32> to vector<16xf32>
      %get3A_39 = arith.index_cast %scan3A_32 : i32 to index
      %get3A_40 = arith.constant 0 : index
      %get3A_41 = tpu.vector_load %arg7[%get3A_39, %get3A_40] {strides = array<i32>} : memref<128x16xf32, #tpu.memory_space<vmem>>, vector<1x16xf32>,
      %get3A_42 = vector.shape_cast %get3A_41 : vector<1x16xf32> to vector<16xf32>
      %sub3A = arith.subf %get3A_38, %get3A_42 : vector<16xf32>
      %abs3A = math.absf %sub3A : vector<16xf32>
      %add3A_43 = arith.addf %get3A_34, %abs3A : vector<16xf32>
      %swap3A_44 = arith.constant 0 : index
      %swap3A_45 = tpu.vector_load %arg8[%swap3A_44] {strides = array<i32>} : memref<16xf32, #tpu.memory_space<vmem>>, vector<16xf32>,
      %swap3A_46 = vector.shape_cast %swap3A_45 : vector<16xf32> to vector<16xf32>
      %swap3A_47 = vector.shape_cast %add3A_43 : vector<16xf32> to vector<16xf32>
      tpu.vector_store %arg8[%swap3A_44], %swap3A_47 {strides = array<i32>} : memref<16xf32, #tpu.memory_space<vmem>>, vector<16xf32>,
    }
    %scan3A_31 = arith.constant 128 : i32
    "tpu.region"() ({
      %run_scoped3A = tpu.sem_alloc : memref<!tpu.dma_semaphore, #tpu.memory_space<semaphore_mem>>
      %dma_start3A_32 = arith.constant 0 : i32
      %dma_start3A_33 = tpu.memref_slice %arg4[%add3A, %dma_start3A_32] : memref<32x16xf32, #tpu.memory_space<hbm>> -> memref<1x16xf32, #tpu.memory_space<hbm>>
      %dma_start3A_34 = tpu.memref_squeeze %dma_start3A_33 : memref<1x16xf32, #tpu.memory_space<hbm>> -> memref<16xf32, #tpu.memory_space<hbm>>
      %dma_start3A_35 = arith.constant 0 : i32
      %dma_start3A_36 = tpu.memref_slice %arg4[%add3A, %dma_start3A_35] : memref<32x16xf32, #tpu.memory_space<hbm>> -> memref<1x16xf32, #tpu.memory_space<hbm>>
      %dma_start3A_37 = tpu.memref_squeeze %dma_start3A_36 : memref<1x16xf32, #tpu.memory_space<hbm>> -> memref<16xf32, #tpu.memory_space<hbm>>
      tpu.enqueue_dma source(%arg8 : memref<16xf32, #tpu.memory_space<vmem>>) target(%dma_start3A_37 : memref<16xf32, #tpu.memory_space<hbm>>) target_semaphore(%run_scoped3A : memref<!tpu.dma_semaphore, #tpu.memory_space<semaphore_mem>>)
      %dma_wait3A_38 = arith.constant 0 : i32
      %dma_wait3A_39 = tpu.memref_slice %arg4[%add3A, %dma_wait3A_38] : memref<32x16xf32, #tpu.memory_space<hbm>> -> memref<1x16xf32, #tpu.memory_space<hbm>>
      %dma_wait3A_40 = tpu.memref_squeeze %dma_wait3A_39 : memref<1x16xf32, #tpu.memory_space<hbm>> -> memref<16xf32, #tpu.memory_space<hbm>>
      %dma_wait3A_41 = arith.constant 0 : i32
      %dma_wait3A_42 = tpu.memref_slice %arg4[%add3A, %dma_wait3A_41] : memref<32x16xf32, #tpu.memory_space<hbm>> -> memref<1x16xf32, #tpu.memory_space<hbm>>
      %dma_wait3A_43 = tpu.memref_squeeze %dma_wait3A_42 : memref<1x16xf32, #tpu.memory_space<hbm>> -> memref<16xf32, #tpu.memory_space<hbm>>
      tpu.wait_dma2 semaphore(%run_scoped3A : memref<!tpu.dma_semaphore, #tpu.memory_space<semaphore_mem>>) src(%arg8 : memref<16xf32, #tpu.memory_space<vmem>>) dst(%dma_wait3A_43 : memref<16xf32, #tpu.memory_space<hbm>>)
      tpu.yield
    }) : () -> ()
    return
  }
}

module attributes {stable_mosaic.version = 14 : i64} {
  func.func @_knn_l2_body(%arg0: i32, %arg1: memref<256x3xf32, #tpu.memory_space<vmem>>, %arg2: memref<3x8192xf32, #tpu.memory_space<vmem>>, %arg3: memref<256x3xf32, #tpu.memory_space<vmem>>, %arg4: memref<256x3xf32, #tpu.memory_space<vmem>>, %arg5: memref<256xi32, #tpu.memory_space<vmem>>, %arg6: memref<1x1xf32, #tpu.memory_space<smem>>, %arg7: memref<256x16xf32, #tpu.memory_space<vmem>>, %arg8: memref<1x8192xf32, #tpu.memory_space<vmem>>) attributes {dimension_semantics = [#tpu.dimension_semantics<arbitrary>], iteration_bounds = array<i64: 32>, scalar_prefetch = 0 : i64, scratch_operands = 1 : i64, tpu.core_type = #tpu.core_type<tc>, window_params = [{transform_indices = @transform_0, window_bounds = array<i64: 256, 3>}, {pipeline_mode = #tpu.pipeline_mode<synchronous>, transform_indices = @transform_1, window_bounds = array<i64: 3, 8192>}, {transform_indices = @transform_2, window_bounds = array<i64: 256, 3>}, {transform_indices = @transform_3, window_bounds = array<i64: 256, 3>}, {transform_indices = @transform_4, window_bounds = array<i64: 256>}, {transform_indices = @transform_5, window_bounds = array<i64: 1, 1>}, {transform_indices = @transform_6, window_bounds = array<i64: 256, 16>}]} {
    %get3A = arith.constant 0 : index
    %get3A_0 = arith.constant 0 : index
    %get3A_1 = vector.load %arg1[%get3A, %get3A_0] : memref<256x3xf32, #tpu.memory_space<vmem>>, vector<256x3xf32>
    %eq3A = arith.constant 0 : i32
    %eq3A_2 = arith.cmpi eq, %arg0, %eq3A : i32
    %convert_element_type3A = arith.extui %eq3A_2 : i1 to i32
    %cond3A = arith.constant 0 : i32
    %cond3A_3 = arith.cmpi ne, %convert_element_type3A, %cond3A : i32
    scf.if %cond3A_3 {
      %get3A_75 = arith.constant 0 : index
      %get3A_76 = arith.constant 0 : index
      %get3A_77 = vector.load %arg2[%get3A_75, %get3A_76] : memref<3x8192xf32, #tpu.memory_space<vmem>>, vector<1x8192xf32>
      %get3A_78 = arith.constant 1 : index
      %get3A_79 = arith.constant 0 : index
      %get3A_80 = vector.load %arg2[%get3A_78, %get3A_79] : memref<3x8192xf32, #tpu.memory_space<vmem>>, vector<1x8192xf32>
      %get3A_81 = arith.constant 2 : index
      %get3A_82 = arith.constant 0 : index
      %get3A_83 = vector.load %arg2[%get3A_81, %get3A_82] : memref<3x8192xf32, #tpu.memory_space<vmem>>, vector<1x8192xf32>
      %mul3A_84 = arith.mulf %get3A_77, %get3A_77 : vector<1x8192xf32>
      %mul3A_85 = arith.mulf %get3A_80, %get3A_80 : vector<1x8192xf32>
      %add3A_86 = arith.addf %mul3A_84, %mul3A_85 : vector<1x8192xf32>
      %mul3A_87 = arith.mulf %get3A_83, %get3A_83 : vector<1x8192xf32>
      %add3A_88 = arith.addf %add3A_86, %mul3A_87 : vector<1x8192xf32>
      %mul3A_89 = arith.constant 2.500000e-01 : f32
      %mul3A_90 = vector.broadcast %mul3A_89 : f32 to vector<1x8192xf32>
      %mul3A_91 = arith.mulf %add3A_88, %mul3A_90 : vector<1x8192xf32>
      %swap3A_92 = arith.constant 0 : index
      %swap3A_93 = arith.constant 0 : index
      %swap3A_94 = vector.load %arg8[%swap3A_92, %swap3A_93] : memref<1x8192xf32, #tpu.memory_space<vmem>>, vector<1x8192xf32>
      tpu.vector_store %arg8[%swap3A_92, %swap3A_93], %mul3A_91 {strides = array<i32>} : memref<1x8192xf32, #tpu.memory_space<vmem>>, vector<1x8192xf32>,
    } else {
    }
    %get3A_4 = arith.constant 0 : index
    %get3A_5 = arith.constant 0 : index
    %get3A_6 = vector.load %arg2[%get3A_4, %get3A_5] : memref<3x8192xf32, #tpu.memory_space<vmem>>, vector<3x8192xf32>
    %dot_general3A = arith.constant dense<0.000000e+00> : vector<256x8192xf32>
    %dot_general3A_7 = tpu.matmul %get3A_1, %get3A_6, %dot_general3A {dimension_numbers = #tpu.dot_dimension_numbers<[1], [0], [0], [1], [0, 0, 1, 1], [], []>, transpose_lhs_hint = false} : vector<256x3xf32>, vector<3x8192xf32>, vector<256x8192xf32> -> vector<256x8192xf32>
    %slice3A = vector.extract_strided_slice %get3A_1 {offsets = [0, 0], sizes = [256, 1], strides = [1, 1]} : vector<256x3xf32> to vector<256x1xf32>
    %slice3A_8 = vector.extract_strided_slice %get3A_1 {offsets = [0, 1], sizes = [256, 1], strides = [1, 1]} : vector<256x3xf32> to vector<256x1xf32>
    %slice3A_9 = vector.extract_strided_slice %get3A_1 {offsets = [0, 2], sizes = [256, 1], strides = [1, 1]} : vector<256x3xf32> to vector<256x1xf32>
    %mul3A = arith.mulf %slice3A, %slice3A : vector<256x1xf32>
    %mul3A_10 = arith.mulf %slice3A_8, %slice3A_8 : vector<256x1xf32>
    %add3A = arith.addf %mul3A, %mul3A_10 : vector<256x1xf32>
    %mul3A_11 = arith.mulf %slice3A_9, %slice3A_9 : vector<256x1xf32>
    %add3A_12 = arith.addf %add3A, %mul3A_11 : vector<256x1xf32>
    %get3A_13 = arith.constant 0 : index
    %get3A_14 = arith.constant 0 : index
    %get3A_15 = vector.load %arg8[%get3A_13, %get3A_14] : memref<1x8192xf32, #tpu.memory_space<vmem>>, vector<1x8192xf32>
    %add3A_16 = vector.broadcast %get3A_15 : vector<1x8192xf32> to vector<256x8192xf32>
    %add3A_17 = arith.addf %add3A_16, %dot_general3A_7 : vector<256x8192xf32>
    %neg3A = arith.constant 0.000000e+00 : f32
    %neg3A_18 = vector.broadcast %neg3A : f32 to vector<256x1xf32>
    %neg3A_19 = arith.subf %neg3A_18, %add3A_12 : vector<256x1xf32>
    %max3A = vector.broadcast %neg3A_19 : vector<256x1xf32> to vector<256x8192xf32>
    %max3A_20 = arith.maximumf %add3A_17, %max3A : vector<256x8192xf32>
    %iota3A = tpu.iota {dimensions = array<i32: 1>} : vector<256x8192xi32>
    %convert_element_type3A_21 = arith.sitofp %iota3A : vector<256x8192xi32> to vector<256x8192xf32>
    %reduce_min3A = arith.constant dense<0x7F800000> : vector<256xf32>
    %reduce_min3A_22 = vector.multi_reduction <minimumf>, %max3A_20, %reduce_min3A [1] : vector<256x8192xf32> to vector<256xf32>
    %broadcast_in_dim3A = vector.shape_cast %reduce_min3A_22 : vector<256xf32> to vector<256x1xf32>
    %eq3A_23 = vector.broadcast %broadcast_in_dim3A : vector<256x1xf32> to vector<256x8192xf32>
    %eq3A_24 = arith.cmpf oeq, %max3A_20, %eq3A_23 : vector<256x8192xf32>
    %jit3A = arith.constant 1.638400e+04 : f32
    %broadcast_in_dim3A_25 = vector.broadcast %jit3A : f32 to vector<256x8192xf32>
    %select_n3A = arith.select %eq3A_24, %convert_element_type3A_21, %broadcast_in_dim3A_25 : vector<256x8192xi1>, vector<256x8192xf32>
    %reduce_min3A_26 = arith.constant dense<0x7F800000> : vector<256xf32>
    %reduce_min3A_27 = vector.multi_reduction <minimumf>, %select_n3A, %reduce_min3A_26 [1] : vector<256x8192xf32> to vector<256xf32>
    %broadcast_in_dim3A_28 = vector.shape_cast %reduce_min3A_27 : vector<256xf32> to vector<256x1xf32>
    %eq3A_29 = vector.broadcast %broadcast_in_dim3A_28 : vector<256x1xf32> to vector<256x8192xf32>
    %eq3A_30 = arith.cmpf oeq, %convert_element_type3A_21, %eq3A_29 : vector<256x8192xf32>
    %jit3A_31 = arith.constant 3.400000e+38 : f32
    %broadcast_in_dim3A_32 = vector.broadcast %jit3A_31 : f32 to vector<256x8192xf32>
    %select_n3A_33 = arith.select %eq3A_30, %broadcast_in_dim3A_32, %max3A_20 : vector<256x8192xi1>, vector<256x8192xf32>
    %reduce_min3A_34 = arith.constant dense<0x7F800000> : vector<256xf32>
    %reduce_min3A_35 = vector.multi_reduction <minimumf>, %select_n3A_33, %reduce_min3A_34 [1] : vector<256x8192xf32> to vector<256xf32>
    %broadcast_in_dim3A_36 = vector.shape_cast %reduce_min3A_35 : vector<256xf32> to vector<256x1xf32>
    %eq3A_37 = vector.broadcast %broadcast_in_dim3A_36 : vector<256x1xf32> to vector<256x8192xf32>
    %eq3A_38 = arith.cmpf oeq, %select_n3A_33, %eq3A_37 : vector<256x8192xf32>
    %jit3A_39 = arith.constant 1.638400e+04 : f32
    %broadcast_in_dim3A_40 = vector.broadcast %jit3A_39 : f32 to vector<256x8192xf32>
    %select_n3A_41 = arith.select %eq3A_38, %convert_element_type3A_21, %broadcast_in_dim3A_40 : vector<256x8192xi1>, vector<256x8192xf32>
    %reduce_min3A_42 = arith.constant dense<0x7F800000> : vector<256xf32>
    %reduce_min3A_43 = vector.multi_reduction <minimumf>, %select_n3A_41, %reduce_min3A_42 [1] : vector<256x8192xf32> to vector<256xf32>
    %convert_element_type3A_44 = arith.fptosi %reduce_min3A_43 : vector<256xf32> to vector<256xi32>
    %swap3A = arith.constant 0 : index
    %swap3A_45 = vector.load %arg5[%swap3A] : memref<256xi32, #tpu.memory_space<vmem>>, vector<256xi32>
    tpu.vector_store %arg5[%swap3A], %convert_element_type3A_44 {strides = array<i32>} : memref<256xi32, #tpu.memory_space<vmem>>, vector<256xi32>,
    %get3A_46 = arith.constant 0 : index
    %get3A_47 = arith.constant 0 : index
    %get3A_48 = vector.load %arg3[%get3A_46, %get3A_47] : memref<256x3xf32, #tpu.memory_space<vmem>>, vector<256x3xf32>
    %get3A_49 = arith.constant 0 : index
    %get3A_50 = arith.constant 0 : index
    %get3A_51 = vector.load %arg4[%get3A_49, %get3A_50] : memref<256x3xf32, #tpu.memory_space<vmem>>, vector<256x3xf32>
    %sub3A = arith.subf %get3A_48, %get3A_51 : vector<256x3xf32>
    %mul3A_52 = arith.mulf %sub3A, %sub3A : vector<256x3xf32>
    %reduce_sum3A = vector.shape_cast %mul3A_52 : vector<256x3xf32> to vector<1x256x3xf32>
    %reduce_sum3A_53 = arith.constant dense<0.000000e+00> : vector<1xf32>
    %reduce_sum3A_54 = vector.multi_reduction <add>, %reduce_sum3A, %reduce_sum3A_53 [1, 2] : vector<1x256x3xf32> to vector<1xf32>
    %reduce_sum3A_55 = vector.shape_cast %reduce_sum3A_54 : vector<1xf32> to vector<1x1x1xf32>
    %reduce_sum3A_56 = vector.extract %reduce_sum3A_55[0, 0, 0] : f32 from vector<1x1x1xf32>
    %eq3A_57 = arith.constant 0 : i32
    %eq3A_58 = arith.cmpi eq, %arg0, %eq3A_57 : i32
    %convert_element_type3A_59 = arith.extui %eq3A_58 : i1 to i32
    %cond3A_60 = arith.constant 0 : i32
    %cond3A_61 = arith.cmpi ne, %convert_element_type3A_59, %cond3A_60 : i32
    scf.if %cond3A_61 {
      %swap3A_75 = arith.constant 0.000000e+00 : f32
      %swap3A_76 = arith.constant 0 : index
      %swap3A_77 = arith.constant 0 : index
      %swap3A_78 = memref.load %arg6[%swap3A_76, %swap3A_77] : memref<1x1xf32, #tpu.memory_space<smem>>
      memref.store %swap3A_75, %arg6[%swap3A_76, %swap3A_77] : memref<1x1xf32, #tpu.memory_space<smem>>
    } else {
    }
    %get3A_62 = arith.constant 0 : index
    %get3A_63 = arith.constant 0 : index
    %get3A_64 = memref.load %arg6[%get3A_62, %get3A_63] : memref<1x1xf32, #tpu.memory_space<smem>>
    %add3A_65 = arith.addf %get3A_64, %reduce_sum3A_56 : f32
    %swap3A_66 = arith.constant 0 : index
    %swap3A_67 = arith.constant 0 : index
    %swap3A_68 = memref.load %arg6[%swap3A_66, %swap3A_67] : memref<1x1xf32, #tpu.memory_space<smem>>
    memref.store %add3A_65, %arg6[%swap3A_66, %swap3A_67] : memref<1x1xf32, #tpu.memory_space<smem>>
    %jit3A_69 = arith.constant 0 : i32
    %convert_element_type3A_70 = arith.sitofp %jit3A_69 : i32 to f32
    %pad3A = vector.broadcast %convert_element_type3A_70 : f32 to vector<256x13xf32>
    %pad3A_71 = tpu.concatenate %get3A_48, %pad3A in 1 : vector<256x3xf32>, vector<256x13xf32> -> vector<256x16xf32>
    %swap3A_72 = arith.constant 0 : index
    %swap3A_73 = arith.constant 0 : index
    %swap3A_74 = vector.load %arg7[%swap3A_72, %swap3A_73] : memref<256x16xf32, #tpu.memory_space<vmem>>, vector<256x16xf32>
    tpu.vector_store %arg7[%swap3A_72, %swap3A_73], %pad3A_71 {strides = array<i32>} : memref<256x16xf32, #tpu.memory_space<vmem>>, vector<256x16xf32>,
    return
  }
  func.func @transform_0(%arg0: i32) -> (i32, i32) {
    %c0_i32 = arith.constant 0 : i32
    %c0_i32_0 = arith.constant 0 : i32
    return %arg0, %c0_i32 : i32, i32
  }
  func.func @transform_1(%arg0: i32) -> (i32, i32) {
    %c0_i32 = arith.constant 0 : i32
    %c0_i32_0 = arith.constant 0 : i32
    %c0_i32_1 = arith.constant 0 : i32
    return %c0_i32, %c0_i32_0 : i32, i32
  }
  func.func @transform_2(%arg0: i32) -> (i32, i32) {
    %c0_i32 = arith.constant 0 : i32
    %c0_i32_0 = arith.constant 0 : i32
    return %arg0, %c0_i32 : i32, i32
  }
  func.func @transform_3(%arg0: i32) -> (i32, i32) {
    %c0_i32 = arith.constant 0 : i32
    %c0_i32_0 = arith.constant 0 : i32
    return %arg0, %c0_i32 : i32, i32
  }
  func.func @transform_4(%arg0: i32) -> i32 {
    %c0_i32 = arith.constant 0 : i32
    return %arg0 : i32
  }
  func.func @transform_5(%arg0: i32) -> (i32, i32) {
    %c0_i32 = arith.constant 0 : i32
    %c0_i32_0 = arith.constant 0 : i32
    %c0_i32_1 = arith.constant 0 : i32
    return %c0_i32, %c0_i32_0 : i32, i32
  }
  func.func @transform_6(%arg0: i32) -> (i32, i32) {
    %c0_i32 = arith.constant 0 : i32
    %c0_i32_0 = arith.constant 0 : i32
    return %arg0, %c0_i32 : i32, i32
  }
}

</mosaic_0001>

<sc_bundles>
// kernel: kernel.4.cloned.1.call-start
scs
__scs_entry_jumppad:
0x0: {  	(pc) =	sbr.rel $0x88, $3  }
0x1: {  	(tag) =	ssettag $0x0;
	lr =	simm.s32 $0x1  }
0x2: {  	[smem:$0x3F9E] =	sst lr;
	_ =	strace $0xD0000000  }
0x3: {  	_ = 	snop  }
0x4: {  	_ = 	snop  }
0x5: {  	_ = 	snop  }
0x6: {  	_ = 	snop  }
0x7: {  	_ = 	snop  }
__scs_overlays_trampoline_lowered:
0x8: {  	[smem:$0x3FAD] =	sst s0  }
0x9: {  	[smem:$0x3FAE] =	sst s1  }
0xa: {  	[smem:$0x3FAF] =	sst s2  }
0xb: {  	[smem:$0x3FB0] =	sst s3  }
0xc: {  	[smem:$0x3FB1] =	sst s4  }
0xd: {  	[smem:$0x3FB2] =	sst s5  }
0xe: {  	[smem:$0x3FB3] =	sst s6  }
0xf: {  	[smem:$0x3FB4] =	sst s7  }
0x10: {  	[smem:$0x3FB5] =	sst s8  }
0x11: {  	[smem:$0x3FB6] =	sst s9;
	s0 =	simm.s32 @!p0 $0x0  }
0x12: {  	s1 =	sld [smem:$0x3F9C];
	s0 =	simm.s32 @p0 $0x1  }
0x13: {  	[smem:$0x3FB7] =	sst s0;
	s0 =	simm.s32 @!p1 $0x0  }
0x14: {  	s2 =	sld [smem:$0x3F9B];
	s0 =	simm.s32 @p1 $0x1  }
0x15: {  	[smem:$0x3FB8] =	sst s0;
	s0 =	simm.s32 @!p2 $0x0  }
0x16: {  	s3 =	sld [smem:$0x3FDB];
	s0 =	simm.s32 @p2 $0x1  }
0x17: {  	s4 =	simm.s32 $0x1BF5;
	[smem:$0x3FBA] =	sst s0  }
0x18: {  	s0 =	sld [smem:$0x3F9D];
	_ =	swait.ge [sflag:s4], $0x0  }
0x19: {  	s7 =	sld [smem:$0x3F9E]  }
0x1a: {  	s8 =	sadd.s32 $0xFFFFE003, lr  }
0x1b: {  	s9 =	sadd.s32 $0xFFFFFEF7, lr;
	s5 =	simm.s32 $0xFFFFFFFF;
	p2 =	slt.u32 s8, $0xFFFFF086  }
0x1c: {  	p1 =	slt.u32 s9, $0xF7A;
	s5 =	simm.s32 @!p2 $0x0  }
0x1d: {  	s5 =	simm.s32 @p1 $0x1;
	p0 =	seq.s32 s7, s2  }
0x1e: {  	s7 =	smul.u32 @!p0 $0xF7A, s2;
	p2 =	seq.s32 @!p0 s5, $0x0  }
0x1f: {  	s9 =	smul.u32 $0xF7A, s1;
	s8 =	simm.s32 @!p0 $0x1BF5;
	p2 =	por !p2, p0  }
0x20: {  	[sflag:s8] =	ssyncset.s32 @!p0 $0xFFFFF086;
	s6 =	sadd.s32 @!p0 s3, s7;
	s7 =	simm.s32 @!p0 $0x108  }
0x21: {  	s3 =	sadd.s32 s3, s9;
	s6 =	sadd.s32 @!p0 $0x88, s6;
	s7 =	simm.s32 @p2 $0x1082  }
0x22: {  	[simem:s7], [sflag:s8] =	dma.local @!p0 [hbm:s6], $0xF7A  }
0x23: {  	s9 =	sor.u32 $0xD0000000, s2;
	s6 =	simm.s32 $0x108;
	_ =	swait.ge @!p0 [sflag:s8], $0x0  }
0x24: {  	s3 =	sadd.s32 $0x88, s3;
	s6 =	simm.s32 @!p1 $0x1082;
	[sflag:s4] =	ssyncset.s32 $0xFFFFF086  }
0x25: {  	[simem:s6], [sflag:s4] =	dma.local [hbm:s3], $0xF7A  }
0x26: {  	[smem:$0x3F9E] =	sst s1;
	(tag) =	ssettag s2;
	_ =	strace s9  }
0x27: {  	s1 =	sld [smem:$0x3FAE]  }
0x28: {  	s2 =	sld [smem:$0x3FAF]  }
0x29: {  	s4 =	sld [smem:$0x3FB1]  }
0x2a: {  	p0 =	seq.s32 s5, $0x0;
	s5 =	sld [smem:$0x3FB2]  }
0x2b: {  	s6 =	sld [smem:$0x3FB3]  }
0x2c: {  	s7 =	sld [smem:$0x3FB4]  }
0x2d: {  	s3 =	simm.s32 $0x108;
	s8 =	sld [smem:$0x3FB5]  }
0x2e: {  	s3 =	simm.s32 @!p0 $0x1082;
	s9 =	sld [smem:$0x3FB6]  }
0x2f: {  	lr =	sadd.s32 s0, s3;
	s0 =	sld [smem:$0x3FAD]  }
0x30: {  	s3 =	sld [smem:$0x3FB0]  }
0x31: {  	[smem:$0x3FB9] =	sst s10  }
0x32: {  	s10 =	sld [smem:$0x3FB7];
	_ =	sdelay $0x3  }
0x33: {  	p0 =	seq.s32 s10, $0x1;
	s10 =	sld [smem:$0x3FB9];
	_ =	sdelay $0x3  }
0x34: {  	[smem:$0x3FB9] =	sst s10  }
0x35: {  	s10 =	sld [smem:$0x3FB8];
	_ =	sdelay $0x3  }
0x36: {  	p1 =	seq.s32 s10, $0x1;
	s10 =	sld [smem:$0x3FB9];
	_ =	sdelay $0x3  }
0x37: {  	[smem:$0x3FB9] =	sst s10  }
0x38: {  	s10 =	sld [smem:$0x3FBA]  }
0x39: {  	_ = 	snop;
	(pc) =	sbr.ind lr, $3  }
0x3a: {  	_ = 	snop  }
0x3b: {  	_ = 	snop  }
0x3c: {  	p2 =	seq.s32 s10, $0x1;
	s10 =	sld [smem:$0x3FB9]  }
0x3d: {  	_ =	shalt  }
0x3e: {  	_ =	shalt  }
0x3f: {  	_ =	shalt  }
0x40: {  	_ =	shalt  }
0x41: {  	_ =	shalt  }
0x42: {  	_ =	shalt  }
0x43: {  	_ =	shalt  }
0x44: {  	_ =	shalt  }
0x45: {  	_ =	shalt  }
0x46: {  	_ =	shalt  }
0x47: {  	_ =	shalt  }
0x48: {  	_ =	shalt  }
0x49: {  	_ =	shalt  }
0x4a: {  	_ =	shalt  }
0x4b: {  	_ =	shalt  }
0x4c: {  	_ =	shalt  }
0x4d: {  	_ =	shalt  }
0x4e: {  	_ =	shalt  }
0x4f: {  	_ =	shalt  }
0x50: {  	_ =	shalt  }
0x51: {  	_ =	shalt  }
0x52: {  	_ =	shalt  }
0x53: {  	_ =	shalt  }
0x54: {  	_ =	shalt  }
0x55: {  	_ =	shalt  }
0x56: {  	_ =	shalt  }
0x57: {  	_ =	shalt  }
0x58: {  	_ =	shalt  }
0x59: {  	_ =	shalt  }
0x5a: {  	_ =	shalt  }
0x5b: {  	_ =	shalt  }
0x5c: {  	_ =	shalt  }
0x5d: {  	_ =	shalt  }
0x5e: {  	_ =	shalt  }
0x5f: {  	_ =	shalt  }
0x60: {  	_ =	shalt  }
0x61: {  	_ =	shalt  }
0x62: {  	_ =	shalt  }
0x63: {  	_ =	shalt  }
0x64: {  	_ =	shalt  }
0x65: {  	_ =	shalt  }
0x66: {  	_ =	shalt  }
0x67: {  	_ =	shalt  }
0x68: {  	_ =	shalt  }
0x69: {  	_ =	shalt  }
0x6a: {  	_ =	shalt  }
0x6b: {  	_ =	shalt  }
0x6c: {  	_ =	shalt  }
0x6d: {  	_ =	shalt  }
0x6e: {  	_ =	shalt  }
0x6f: {  	_ =	shalt  }
0x70: {  	_ =	shalt  }
0x71: {  	_ =	shalt  }
0x72: {  	_ =	shalt  }
0x73: {  	_ =	shalt  }
0x74: {  	_ =	shalt  }
0x75: {  	_ =	shalt  }
0x76: {  	_ =	shalt  }
0x77: {  	_ =	shalt  }
0x78: {  	_ =	shalt  }
0x79: {  	_ =	shalt  }
0x7a: {  	_ =	shalt  }
0x7b: {  	_ =	shalt  }
0x7c: {  	_ =	shalt  }
0x7d: {  	_ =	shalt  }
0x7e: {  	_ =	shalt  }
0x7f: {  	_ =	shalt  }
0x80: {  	_ =	shalt  }
0x81: {  	_ =	shalt  }
0x82: {  	_ =	shalt  }
0x83: {  	_ =	shalt  }
0x84: {  	_ =	shalt  }
0x85: {  	_ =	shalt  }
0x86: {  	_ =	shalt  }
0x87: {  	_ =	shalt  }
.Lfunc_end0:
.L_simem_size_0:
called_computation_lowered:
.L_overlay_start_0:
0x88: {  	s2 =	sld [smem:$0x3FD9]  }
0x89: {  	s3 =	sld [smem:$0x3FFE];
	_ =	sdelay $0x1  }
0x8a: {  	s1 =	srdreg.scid  }
0x8b: {  	s0 =	sand.u32 $0x1, s1  }
0x8c: {  	s16 =	sshll.u32 s0, $0xA;
	s2 =	sadd.s32 s3, s2  }
0x8d: {  	s2 =	sadd.s32 s2, s16  }
0x8e: {  	[smem:$0x3FC5] =	sst s2  }
0x8f: {  	_ = 	snop  }
0x90: {  	(tm) =	ssettm $0x1  }
0x91: {  	s17 =	sld [smem:$0x3FFB];
	_ =	sdelay $0x3  }
0x92: {  	_ =	strace s17  }
0x93: {  	s2 =	sld [smem:$0x3FFC];
	_ =	sdelay $0x3  }
0x94: {  	_ =	strace s2  }
0x95: {  	s2 =	sld [smem:$0x3FFD];
	_ =	sdelay $0x3  }
0x96: {  	_ =	strace s2  }
0x97: {  	_ =	strace $0x8FFFFFFF  }
0x98: {  	s18 =	sld [smem:$0x3FDB];
	_ =	sdelay $0x1  }
0x99: {  	s19 =	simm.s32 $_scs_section_size  }
0x9a: {  	s4 =	simm.s32 $_size__tile_overlayer_lowered;
	s5 =	simm.s32 $_tile_overlayer_lowered  }
0x9b: {  	s22 =	simm.s32 $0x1BFF;
	s21 =	sshll.u32 s5, $0x1;
	s2 =	sadd.s32 s19, s18  }
0x9c: {  	s6 =	simm.s32 $0x0;
	s20 =	sshll.u32 s4, $0x1;
	s4 =	sadd.s32 s21, s2  }
0x9d: {  	[timem:s6], [sflag:s22] =	dma.local [hbm:s4], s20  }
0x9e: {  	_ =	swait.ge [sflag:s22], s20  }
0x9f: {  	s3 =	ssub.s32 $0x0, s20;
	[sflag:s22] =	ssyncset.done $0x0  }
0xa0: {  	[sflag:s22] =	ssyncadd.s32 s3;
	_ =	sdelay $0x1  }
0xa1: {  	s23 =	simm.s32 $0x1B8B  }
0xa2: {  	_ =	swait.ge [sflag:s23], $0x1  }
0xa3: {  	[sflag:s23] =	ssyncset.done $0x0  }
0xa4: {  	s25 =	simm.s32 $0x1B8E;
	s24 =	sld [smem:$0x3FFE];
	[sflag:s23] =	ssyncadd.s32 $0xFFFFFFFF  }
0xa5: {  	s26 =	simm.s32 $execute0_lowered;
	[smem:$0x3FD2] =	sst s25  }
0xa6: {  	s4 =	sshll.u32 s26, $0x1;
	_ =	strace $0x80000046;
	[dreg:$0x1] =	wrdreg $0xFFFFFFFF  }
0xa7: {  	s28 =	simm.s32 $_size_execute0_lowered;
	s2 =	sadd.s32 s2, s4;
	[dreg:$0x0] =	wrdreg $0x0  }
0xa8: {  	s4 =	sshll.u32 s28, $0x1;
	[dreg:$0x2] =	wrdreg s2  }
0xa9: {  	[dreg:$0x3] =	wrdreg s4  }
0xaa: {  	[dreg:$0x4] =	wrdreg $0xC0  }
0xab: {  	_ =	task [dreg:s6], $0x5FFFF  }
0xac: {  	[dreg:$0x1] =	wrdreg $0xFFFFFFFF  }
0xad: {  	[dreg:$0x0] =	wrdreg $0x60  }
0xae: {  	[dreg:$0x2] =	wrdreg s24  }
0xaf: {  	[dreg:$0x3] =	wrdreg $0x9  }
0xb0: {  	_ =	task.clear_ibuf [dreg:s6], $0x4FFFF;
	_ =	strace $0x90000046  }
0xb1: {  	s29 =	simm.s32 $0x9;
	_ =	strace $0x80000048  }
0xb2: {  	_ =	swait.ge [sflag:s29], $0x1  }
0xb3: {  	[sflag:s29] =	ssyncadd.s32 $0xFFFFFFFF  }
0xb4: {  	_ =	strace $0x90000048  }
0xb5: {  	_ =	sfence  }
0xb6: {  	s30 =	sld [smem:$0x0];
	_ =	sdelay $0x2  }
0xb7: {  	s31 =	sshll.u32 s1, $0xD;
	s1 =	sshrl.u32 s1, $0x2  }
0xb8: {  	s3 =	sand.u32 $0x4000, s31;
	s1 =	sadd.s32 s1, s30  }
0xb9: {  	s0 =	sor.u32 s3, s0;
	s1 =	sshll.u32 s1, $0x11  }
0xba: {  	s0 =	sor.u32 s1, s0  }
0xbb: {  	s0 =	sadd.s32 $0x8F2B, s0  }
0xbc: {  	[sflag:s0] =	ssyncadd.remote.s32 $0x1  }
0xbd: {  	_ =	sfence.sel $0xFFFF  }
0xbe: {  	[dreg:$0x0] =	wrdreg $0xFFFFFFFF;
	(pc) =	sbr.abs _section_cstart, $3  }
0xbf: {  	[dreg:$0x1] =	wrdreg $0xFFFFFFFF  }
0xc0: {  	_ =	task.clear_ibuf [dreg:s6], $0x2FFFF;
	_ =	strace $0x9FFFFFFF  }
0xc1: {  	(tm) =	ssettm $0x7FFFFFFF  }
tec
execute0_lowered:
.L_overlay_start_1:
0x0: {  	(tag) =	ssettag $0x1  }
0x1: {  	s4 =	rddreg [dreg:$0x0]  }
0x2: {  	s0 =	rddreg [dreg:$0x1]  }
0x3: {  	s2 =	simm.s32 $0x0;
	s3 =	srdreg.scid;
	s1 =	stileid.u32  }
0x4: {  	s11 =	simm.s32 $0x80;
	s12 =	simm.s32 $0x880;
	s13 =	simm.s32 $0x1  }
0x5: {  	s14 =	simm.s32 $0x1080;
	s15 =	simm.s32 $0x0;
	[smem:$0x7FF] =	sst s2  }
0x6: {  	s5 =	sand.u32 $0x1, s3;
	s6 =	sshll.u32 s1, $0x1;
	s3 =	sadd.s32 $0xC00, s4  }
0x7: {  	s7 =	sadd.s32 $0x800, s4;
	s6 =	sor.u32 s5, s6;
	s5 =	ssub.s32 $0x2, s5  }
0x8: {  	_ =	strace $0x80000047;
	s8 =	sshll.u32 s6, $0x1;
	s26 =	sshrl.u32 s5, $0x1  }
0x9: {  	s9 =	sshll.u32 s6, $0x8;
	s28 =	sshll.u32 s6, $0x5;
	s29 =	sshll.u32 s6, $0x9  }
0xa: {  	s8 =	sadd.s32 s8, s4;
	s10 =	ssub.s32 s5, s26;
	s9 =	sor.u32 $0x80, s9  }
0xb: {  	s4 =	sadd.s32 s7, s28;
	s5 =	sadd.s32 s3, s29;
	s30 =	sshrl.u32 s9, $0x3  }
0xc: {  	s31 =	sshll.u32 s9, $0x1;
	s8 =	sadd.s32 $0x4C00, s8;
	s9 =	smax.u32 s10, $0x1  }
0xd: {  	v0 =	vimm.f32 $0.0e+00;
	s10 =	simm.s32 $0x2;
	s6 =	sadd.s32 s7, s30;
	s7 =	sadd.s32 s3, s31  }
.LBB2_1:
0xe: {  	[tilespmem:$0x1080] =	vst v0  }
0xf: {  	[tilespmem:s2], [sflag:$0x2] =	stream.linear.gather [hbm4b:s4+s2], $0x80, $0x38;
	[tilespmem:$0x1090] =	vst v63  }
0x10: {  	_ =	swait.ge [sflag:s10], $0x80  }
0x11: {  	[sflag:s10] =	ssyncset.done $0x0  }
0x12: {  	[sflag:s10] =	ssyncadd.s32 $0xFFFFFF80  }
0x13: {  	[tilespmem:s12], [sflag:$0x1] =	stream.indirect.gather [hbm4b:s3+s11], $0x10, s2, s11, $0xb8;
	[tilespmem:$0x1090] =	vst v63  }
0x14: {  	_ =	swait.ge [sflag:s13], $0x800  }
0x15: {  	[sflag:s13] =	ssyncset.done $0x0  }
0x16: {  	[sflag:s13] =	ssyncadd.s32 $0xFFFFF800  }
0x17: {  	[tilespmem:s11], [sflag:$0x2] =	stream.linear.gather [hbm4b:s5+s2], $0x800, $0x38;
	[tilespmem:$0x1090] =	vst v63  }
0x18: {  	_ =	swait.ge [sflag:s10], $0x800  }
0x19: {  	[sflag:s10] =	ssyncset.done $0x0  }
0x1a: {  	[sflag:s10] =	ssyncadd.s32 $0xFFFFF800  }
0x1b: {  	s17 =	simm.s32 $0x0;
	v1 =	vld [tilespmem:$0x1080]  }
0x1c: {  	s16 =	simm.s32 $0x40;
	v2 =	vld [tilespmem:s17+$0x880]  }
.LBB2_2:
0x1d: {  	p0 =	sne.s32 s16, $0x1FC0;
	v3 =	vld [tilespmem:s17+$0x80];
	_ =	sdelay $0x4  }
0x1e: {  	v2 =	vsub.f32 v3, v2;
	_ =	sdelay $0x1  }
.Ltmp0:
0x1f: {  	v2 =	vand.u32 $0x7FFFFFFF, v2;
	(pc) =	sbr.rel @p0 .LBB2_2-.Ltmp0, $3  }
0x20: {  	v1 =	vadd.f32 v2, v1;
	_ =	sdelay $0x1  }
0x21: {  	s17 =	sshra.s32 s16, $0x2;
	[tilespmem:$0x1080] =	vst v1  }
0x22: {  	s16 =	sadd.s32 $0x40, s16;
	v2 =	vld [tilespmem:s17+$0x880]  }
0x23: {  	v3 =	vld [tilespmem:s17+$0x80];
	_ =	sdelay $0x4  }
0x24: {  	v2 =	vsub.f32 v3, v2;
	_ =	sdelay $0x1  }
0x25: {  	v2 =	vand.u32 $0x7FFFFFFF, v2  }
0x26: {  	v1 =	vadd.f32 v2, v1;
	_ =	sdelay $0x1  }
0x27: {  	s16 =	simm.s32 $0x0;
	[tilespmem:$0x1080] =	vst v1  }
0x28: {  	[tilespmem:s16], [sflag:$0x2] =	stream.linear.gather [hbm4b:s6+s16], $0x80, $0x38;
	[tilespmem:$0x1090] =	vst v63  }
0x29: {  	_ =	swait.ge [sflag:s10], $0x80  }
0x2a: {  	[sflag:s10] =	ssyncset.done $0x0  }
0x2b: {  	[sflag:s10] =	ssyncadd.s32 $0xFFFFFF80  }
0x2c: {  	[tilespmem:s12], [sflag:$0x1] =	stream.indirect.gather [hbm4b:s3+s11], $0x10, s16, s11, $0xb8;
	[tilespmem:$0x1090] =	vst v63  }
0x2d: {  	_ =	swait.ge [sflag:s13], $0x800  }
0x2e: {  	[sflag:s13] =	ssyncset.done $0x0  }
0x2f: {  	[sflag:s13] =	ssyncadd.s32 $0xFFFFF800  }
0x30: {  	[tilespmem:s11], [sflag:$0x2] =	stream.linear.gather [hbm4b:s7+s16], $0x800, $0x38;
	[tilespmem:$0x1090] =	vst v63  }
0x31: {  	_ =	swait.ge [sflag:s10], $0x800  }
0x32: {  	[sflag:s10] =	ssyncset.done $0x0  }
0x33: {  	[sflag:s10] =	ssyncadd.s32 $0xFFFFF800  }
0x34: {  	s17 =	simm.s32 $0x0;
	v1 =	vld [tilespmem:$0x1080]  }
0x35: {  	s16 =	simm.s32 $0x40;
	v2 =	vld [tilespmem:s17+$0x880]  }
.LBB2_4:
0x36: {  	p0 =	sne.s32 s16, $0x1FC0;
	v3 =	vld [tilespmem:s17+$0x80];
	_ =	sdelay $0x4  }
0x37: {  	v2 =	vsub.f32 v3, v2;
	_ =	sdelay $0x1  }
.Ltmp1:
0x38: {  	v2 =	vand.u32 $0x7FFFFFFF, v2;
	(pc) =	sbr.rel @p0 .LBB2_4-.Ltmp1, $3  }
0x39: {  	v1 =	vadd.f32 v2, v1;
	_ =	sdelay $0x1  }
0x3a: {  	s17 =	sshra.s32 s16, $0x2;
	[tilespmem:$0x1080] =	vst v1  }
0x3b: {  	s16 =	sadd.s32 $0x40, s16;
	v2 =	vld [tilespmem:s17+$0x880]  }
0x3c: {  	v3 =	vld [tilespmem:s17+$0x80];
	_ =	sdelay $0x4  }
0x3d: {  	v2 =	vsub.f32 v3, v2;
	_ =	sdelay $0x1  }
0x3e: {  	v2 =	vand.u32 $0x7FFFFFFF, v2  }
0x3f: {  	s15 =	sadd.s32 $0x1, s15;
	v1 =	vadd.f32 v2, v1  }
0x40: {  	p0 =	sne.s32 s15, s9  }
.Ltmp2:
0x41: {  	[tilespmem:$0x1080] =	vst v1;
	(pc) =	sbr.rel @p0 .LBB2_1-.Ltmp2, $4  }
0x42: {  	[hbm4b:s8+s2] =	stream.linear.scatter [tilespmem:s14], [sflag:$0x2], $0x10, $0x38;
	[tilespmem:$0x1090] =	vst v63  }
0x43: {  	_ =	swait.ge [sflag:s10], $0x10  }
0x44: {  	[sflag:s10] =	ssyncset.done $0x0  }
0x45: {  	[sflag:s10] =	ssyncadd.s32 $0xFFFFFFF0  }
0x46: {  	_ =	sfence.sel $0x180000  }
0x47: {  	[bflag:$0x0] =	sbarrier.arrive $0xFFFF  }
0x48: {  	p0 =	sne.s32 s1, $0x0;
	_ =	strace $0x90000047  }
0x49: {  	s0 =	sadd.s32 @!p0 $0x100000, s0;
	[bflag:$0x2] =	sbarrier.arrive $0xFFFF  }
0x4a: {  	[sflag:s0] =	ssyncadd.tile.s32 @!p0 $0x1;
	_ =	shalt  }
.Lfunc_end2:
_tile_overlayer_lowered:
.L_overlay_start_2:
0x4b: {  	(tag) =	ssettag $0x2  }
0x4c: {  	s0 =	rddreg [dreg:$0x0];
	s2 =	stileid.u32  }
0x4d: {  	s1 =	rddreg [dreg:$0x1];
	p0 =	sne.s32 s2, $0x0  }
0x4e: {  	s3 =	rddreg [dreg:$0x2];
	[bflag:$0x3] =	sbarrier.arrive $0xFFFF;
	s2 =	simm.s32 @!p0 $0x1C02  }
0x4f: {  	[timem:s3], [sflag:s2] =	dma.local @!p0 [hbm:s0], s1  }
0x50: {  	s0 =	simm.s32 @!p0 $0x2  }
0x51: {  	_ =	swait.ge @!p0 [sflag:s0], s1  }
0x52: {  	s1 =	ssub.s32 @!p0 $0x0, s1;
	[sflag:s0] =	ssyncset.done @!p0 $0x0  }
0x53: {  	[sflag:s0] =	ssyncadd.s32 @!p0 s1  }
0x54: {  	[bflag:$0x3] =	sbarrier.arrive $0xFFFF  }
0x55: {  	_ =	shalt  }

</sc_bundles>
